<compile_context>
chip_gen: v7x
topology: tpu7x:2x2x1
jax: 0.10.2.dev20260603
libtpu: 0.0.44.dev20260713+nightly
codegen_flags: <defaults>
</compile_context>

<pallas_src>
import functools

import jax
import jax.numpy as jnp
from jax import lax
from jax.experimental import pallas as pl
from jax.experimental.pallas import tpu as pltpu
from jax.experimental.pallas import tpu_sc as plsc

D_MODEL = 64
MAX_LEN = 2000
B = 4096
L = 200
D_PAD = 128

NC = 2
NS = 16
NW = NC * NS

TOTAL = B * L
PER_W = TOTAL // NW
BAT_W = B // NW
NCHUNK = BAT_W
NPAIR = NCHUNK // 2


@functools.partial(
    pl.kernel,
    out_type=jax.ShapeDtypeStruct((B, L, D_MODEL), jnp.float32),
    mesh=plsc.VectorSubcoreMesh(core_axis_name="c", subcore_axis_name="s"),
    scratch_types=[
        pltpu.VMEM((L,), jnp.int32),
        pltpu.VMEM((L,), jnp.int32),
        pltpu.VMEM((L, D_PAD), jnp.float32),
        pltpu.VMEM((L, D_PAD), jnp.float32),
        pltpu.VMEM((L, D_MODEL), jnp.float32),
        pltpu.VMEM((L, D_MODEL), jnp.float32),
        pltpu.VMEM_SHARED((MAX_LEN, D_PAD), jnp.float32),
        pltpu.SemaphoreType.DMA,
        pltpu.SemaphoreType.DMA,
        pltpu.SemaphoreType.DMA,
        pltpu.SemaphoreType.DMA,
    ],
)
def _gather_kernel(pos_hbm, pe_hbm, out_hbm, i0, i1, ra0, ra1, rb0, rb1,
                   pe_sh, si0, si1, sa0, sa1):
    sid = lax.axis_index("s")
    wid = sid * NC + lax.axis_index("c")
    base = wid * PER_W
    wb = wid * BAT_W

    @pl.when(sid == 0)
    def _():
        pltpu.sync_copy(pe_hbm, pe_sh)

    plsc.subcore_barrier()

    def idx_start(g, ibuf, sem):
        pltpu.async_copy(pos_hbm.at[pl.ds(base + g * L, L)], ibuf, sem)

    def idx_wait(ibuf, sem):
        pltpu.make_async_copy(pos_hbm.at[pl.ds(base, L)], ibuf, sem).wait()

    def gather_start(ibuf, rabuf, sem):
        pltpu.async_copy(pe_sh.at[ibuf], rabuf, sem)

    def gather_wait(ibuf, rabuf, sem):
        pltpu.make_async_copy(pe_sh.at[ibuf], rabuf, sem).wait()

    def compact(rabuf, rbbuf):
        @plsc.parallel_loop(0, L, step=1, unroll=8)
        def _(r):
            for k in range(D_MODEL // 16):
                rbbuf[r, pl.ds(k * 16, 16)] = rabuf[r, pl.ds(k * 16, 16)]

    pltpu.sync_copy(pos_hbm.at[pl.ds(base, L)], i0)
    gather_start(i0, ra0, sa0)
    idx_start(1, i1, si1)

    def pair_body(p, carry):
        g0 = 2 * p
        gather_wait(i0, ra0, sa0)
        idx_wait(i1, si1)
        gather_start(i1, ra1, sa1)

        @pl.when(p < NPAIR - 1)
        def _():
            idx_start(g0 + 2, i0, si0)

        compact(ra0, rb0)
        pltpu.sync_copy(rb0, out_hbm.at[wb + g0])

        gather_wait(i1, ra1, sa1)

        @pl.when(p < NPAIR - 1)
        def _():
            idx_wait(i0, si0)
            gather_start(i0, ra0, sa0)
            idx_start(g0 + 3, i1, si1)

        compact(ra1, rb1)
        pltpu.sync_copy(rb1, out_hbm.at[wb + g0 + 1])
        return carry

    lax.fori_loop(0, NPAIR, pair_body, 0)


def kernel(positions, pe):
    flat = positions.reshape(TOTAL).astype(jnp.int32)
    pe_pad = jnp.pad(pe, ((0, 0), (0, D_PAD - D_MODEL)))
    return _gather_kernel(flat, pe_pad)

# --- scband reference (transcript-rebuilt; emitter-appended) ---
"""Pipeline reference for scband-position-encoding-41180146434722 (READ-ONLY COPY).

The authoritative reference and input builder live on the scoring server;
editing this copy changes nothing except your own understanding.
"""

import jax, jax.numpy as jnp
import numpy as np

D_MODEL = 64
MAX_LEN = 2000
B = 4096
L = 200

def _build_pe(d_model, max_len):
    position = jnp.arange(max_len, dtype=jnp.float32)[:, None]
    div_term = jnp.exp(jnp.arange(0, d_model, 2, dtype=jnp.float32) * (-np.log(10000.0) / d_model))
    pe = jnp.zeros((max_len, d_model), dtype=jnp.float32)
    pe = pe.at[:, 0::2].set(jnp.sin(position * div_term))
    pe = pe.at[:, 1::2].set(jnp.cos(position * div_term))
    return pe

def setup_inputs(seed: int = 0) -> dict:
    key = jax.random.key(seed)
    positions = jax.random.randint(key, (B, L), 0, MAX_LEN, dtype=jnp.int64 if jax.config.jax_enable_x64 else jnp.int32)
    pe = _build_pe(D_MODEL, MAX_LEN)
    return {"positions": positions, "pe": pe}

def reference(positions, pe):
    # Faithful translation of forward: broadcast pe over batch, then gather per-batch positions.
    b = positions.shape[0]
    pe_b = jnp.repeat(pe[None, :, :], b, axis=0)  # (B, max_len, d_model)
    batch_idx = jnp.arange(b)[:, None]            # (B, 1)
    out = pe_b[batch_idx, positions, :]           # (B, L, d_model)
    return out

if __name__ == "__main__":
    import jax
    _d = setup_inputs()
    print(jax.jit(kernel)(*tuple(_d.values())))

</pallas_src>

<mosaic_0001>
#map = affine_map<(d0, d1) -> (0)>
#map1 = affine_map<(d0, d1) -> (0, 0)>
#map2 = affine_map<(d0, d1) -> (0, 0, 0)>
module attributes {stable_mosaic.version = 14 : i64} {
  func.func @_gather_kernel(%arg0: i32, %arg1: i32, %arg2: memref<819200xi32, #tpu.memory_space<hbm>>, %arg3: memref<2000x128xf32, #tpu.memory_space<hbm>>, %arg4: memref<4096x200x64xf32, #tpu.memory_space<hbm>>, %arg5: memref<200xi32, #tpu.memory_space<vmem>>, %arg6: memref<200xi32, #tpu.memory_space<vmem>>, %arg7: memref<200x128xf32, #tpu.memory_space<vmem>>, %arg8: memref<200x128xf32, #tpu.memory_space<vmem>>, %arg9: memref<200x64xf32, #tpu.memory_space<vmem>>, %arg10: memref<200x64xf32, #tpu.memory_space<vmem>>, %arg11: memref<2000x128xf32, #tpu.memory_space<vmem_shared>>, %arg12: memref<!tpu.dma_semaphore, #tpu.memory_space<semaphore_mem>>, %arg13: memref<!tpu.dma_semaphore, #tpu.memory_space<semaphore_mem>>, %arg14: memref<!tpu.dma_semaphore, #tpu.memory_space<semaphore_mem>>, %arg15: memref<!tpu.dma_semaphore, #tpu.memory_space<semaphore_mem>>) attributes {dimension_semantics = [#tpu.dimension_semantics<core_parallel>, #tpu.dimension_semantics<subcore_parallel>], iteration_bounds = array<i64: 2, 16>, scalar_prefetch = 0 : i64, scratch_operands = 11 : i64, tpu.core_type = #tpu.core_type<sc_vector_subcore>, window_params = [{transform_indices = #map}, {transform_indices = #map1}, {transform_indices = #map2}]} {
    %mul3A = arith.constant 2 : i32
    %mul3A_0 = arith.muli %arg1, %mul3A : i32
    %add3A = arith.addi %mul3A_0, %arg0 : i32
    %mul3A_1 = arith.constant 25600 : i32
    %mul3A_2 = arith.muli %add3A, %mul3A_1 : i32
    %mul3A_3 = arith.constant 128 : i32
    %mul3A_4 = arith.muli %add3A, %mul3A_3 : i32
    %eq3A = arith.constant 0 : i32
    %eq3A_5 = arith.cmpi eq, %arg1, %eq3A : i32
    %convert_element_type3A = arith.extui %eq3A_5 : i1 to i32
    %cond3A = arith.constant 0 : i32
    %cond3A_6 = arith.cmpi ne, %convert_element_type3A, %cond3A : i32
    scf.if %cond3A_6 {
      "tpu.region"() ({
        %run_scoped3A = tpu.sem_alloc : memref<!tpu.dma_semaphore, #tpu.memory_space<semaphore_mem>>
        tpu.enqueue_dma source(%arg3 : memref<2000x128xf32, #tpu.memory_space<hbm>>) target(%arg11 : memref<2000x128xf32, #tpu.memory_space<vmem_shared>>) target_semaphore(%run_scoped3A : memref<!tpu.dma_semaphore, #tpu.memory_space<semaphore_mem>>)
        tpu.wait_dma2 semaphore(%run_scoped3A : memref<!tpu.dma_semaphore, #tpu.memory_space<semaphore_mem>>) src(%arg3 : memref<2000x128xf32, #tpu.memory_space<hbm>>) dst(%arg11 : memref<2000x128xf32, #tpu.memory_space<vmem_shared>>)
        tpu.yield
      }) : () -> ()
    } else {
    }
    %barrier3A = arith.constant 0 : index
    tpu.barrier barrier_id(%barrier3A)
    "tpu.region"() ({
      %run_scoped3A = tpu.sem_alloc : memref<!tpu.dma_semaphore, #tpu.memory_space<semaphore_mem>>
      %dma_start3A_18 = tpu.memref_slice %arg2[%mul3A_2] : memref<819200xi32, #tpu.memory_space<hbm>> -> memref<200xi32, #tpu.memory_space<hbm>>
      %dma_start3A_19 = tpu.memref_slice %arg2[%mul3A_2] : memref<819200xi32, #tpu.memory_space<hbm>> -> memref<200xi32, #tpu.memory_space<hbm>>
      tpu.enqueue_dma source(%dma_start3A_19 : memref<200xi32, #tpu.memory_space<hbm>>) target(%arg5 : memref<200xi32, #tpu.memory_space<vmem>>) target_semaphore(%run_scoped3A : memref<!tpu.dma_semaphore, #tpu.memory_space<semaphore_mem>>)
      %dma_wait3A = tpu.memref_slice %arg2[%mul3A_2] : memref<819200xi32, #tpu.memory_space<hbm>> -> memref<200xi32, #tpu.memory_space<hbm>>
      %dma_wait3A_20 = tpu.memref_slice %arg2[%mul3A_2] : memref<819200xi32, #tpu.memory_space<hbm>> -> memref<200xi32, #tpu.memory_space<hbm>>
      tpu.wait_dma2 semaphore(%run_scoped3A : memref<!tpu.dma_semaphore, #tpu.memory_space<semaphore_mem>>) src(%dma_wait3A_20 : memref<200xi32, #tpu.memory_space<hbm>>) dst(%arg5 : memref<200xi32, #tpu.memory_space<vmem>>)
      tpu.yield
    }) : () -> ()
    %dma_start3A = arith.constant 0 : i32
    %dma_start3A_7 = arith.constant 0 : i32
    %dma_start3A_8 = tpu.memref_slice %arg11[%dma_start3A, %dma_start3A_7] : memref<2000x128xf32, #tpu.memory_space<vmem_shared>> -> memref<2000x128xf32, #tpu.memory_space<vmem_shared>>
    tpu.enqueue_indirect_dma source(%dma_start3A_8 : memref<2000x128xf32, #tpu.memory_space<vmem_shared>>) target(%arg7 : memref<200x128xf32, #tpu.memory_space<vmem>>) offsets(%arg5 : memref<200xi32, #tpu.memory_space<vmem>>) semaphore(%arg14 : memref<!tpu.dma_semaphore, #tpu.memory_space<semaphore_mem>>)
    %add3A_9 = arith.constant 200 : i32
    %add3A_10 = arith.addi %mul3A_2, %add3A_9 : i32
    %dma_start3A_11 = tpu.memref_slice %arg2[%add3A_10] : memref<819200xi32, #tpu.memory_space<hbm>> -> memref<200xi32, #tpu.memory_space<hbm>>
    %dma_start3A_12 = tpu.memref_slice %arg2[%add3A_10] : memref<819200xi32, #tpu.memory_space<hbm>> -> memref<200xi32, #tpu.memory_space<hbm>>
    tpu.enqueue_dma source(%dma_start3A_12 : memref<200xi32, #tpu.memory_space<hbm>>) target(%arg6 : memref<200xi32, #tpu.memory_space<vmem>>) target_semaphore(%arg13 : memref<!tpu.dma_semaphore, #tpu.memory_space<semaphore_mem>>)
    %scan3A = arith.constant 0 : i32
    %scan3A_13 = arith.constant 0 : i32
    %scan3A_14 = arith.constant 64 : i32
    %scan3A_15 = arith.addi %scan3A_13, %scan3A_14 : i32
    %scan3A_16 = arith.constant 1 : i32
    scf.for %scan3A_18 = %scan3A_13 to %scan3A_15 step %scan3A_16  : i32 {
      %mul3A_19 = arith.constant 2 : i32
      %mul3A_20 = arith.muli %mul3A_19, %scan3A_18 : i32
      %dma_wait3A = arith.constant 0 : i32
      %dma_wait3A_21 = arith.constant 0 : i32
      %dma_wait3A_22 = tpu.memref_slice %arg11[%dma_wait3A, %dma_wait3A_21] : memref<2000x128xf32, #tpu.memory_space<vmem_shared>> -> memref<2000x128xf32, #tpu.memory_space<vmem_shared>>
      tpu.wait_indirect_dma semaphore(%arg14 : memref<!tpu.dma_semaphore, #tpu.memory_space<semaphore_mem>>) src(%dma_wait3A_22 : memref<2000x128xf32, #tpu.memory_space<vmem_shared>>) dst(%arg7 : memref<200x128xf32, #tpu.memory_space<vmem>>)
      %dma_wait3A_23 = tpu.memref_slice %arg2[%mul3A_2] : memref<819200xi32, #tpu.memory_space<hbm>> -> memref<200xi32, #tpu.memory_space<hbm>>
      %dma_wait3A_24 = tpu.memref_slice %arg2[%mul3A_2] : memref<819200xi32, #tpu.memory_space<hbm>> -> memref<200xi32, #tpu.memory_space<hbm>>
      tpu.wait_dma2 semaphore(%arg13 : memref<!tpu.dma_semaphore, #tpu.memory_space<semaphore_mem>>) src(%dma_wait3A_24 : memref<200xi32, #tpu.memory_space<hbm>>) dst(%arg6 : memref<200xi32, #tpu.memory_space<vmem>>)
      %dma_start3A_25 = arith.constant 0 : i32
      %dma_start3A_26 = arith.constant 0 : i32
      %dma_start3A_27 = tpu.memref_slice %arg11[%dma_start3A_25, %dma_start3A_26] : memref<2000x128xf32, #tpu.memory_space<vmem_shared>> -> memref<2000x128xf32, #tpu.memory_space<vmem_shared>>
      tpu.enqueue_indirect_dma source(%dma_start3A_27 : memref<2000x128xf32, #tpu.memory_space<vmem_shared>>) target(%arg8 : memref<200x128xf32, #tpu.memory_space<vmem>>) offsets(%arg6 : memref<200xi32, #tpu.memory_space<vmem>>) semaphore(%arg15 : memref<!tpu.dma_semaphore, #tpu.memory_space<semaphore_mem>>)
      %lt3A = arith.constant 63 : i32
      %lt3A_28 = arith.cmpi slt, %scan3A_18, %lt3A : i32
      %convert_element_type3A_29 = arith.extui %lt3A_28 : i1 to i32
      %cond3A_30 = arith.constant 0 : i32
      %cond3A_31 = arith.cmpi ne, %convert_element_type3A_29, %cond3A_30 : i32
      scf.if %cond3A_31 {
        %add3A_49 = arith.constant 2 : i32
        %add3A_50 = arith.addi %mul3A_20, %add3A_49 : i32
        %mul3A_51 = arith.constant 200 : i32
        %mul3A_52 = arith.muli %add3A_50, %mul3A_51 : i32
        %add3A_53 = arith.addi %mul3A_2, %mul3A_52 : i32
        %dma_start3A_54 = tpu.memref_slice %arg2[%add3A_53] : memref<819200xi32, #tpu.memory_space<hbm>> -> memref<200xi32, #tpu.memory_space<hbm>>
        %dma_start3A_55 = tpu.memref_slice %arg2[%add3A_53] : memref<819200xi32, #tpu.memory_space<hbm>> -> memref<200xi32, #tpu.memory_space<hbm>>
        tpu.enqueue_dma source(%dma_start3A_55 : memref<200xi32, #tpu.memory_space<hbm>>) target(%arg5 : memref<200xi32, #tpu.memory_space<vmem>>) target_semaphore(%arg12 : memref<!tpu.dma_semaphore, #tpu.memory_space<semaphore_mem>>)
      } else {
      }
      %parallel_loop3A = arith.constant 0 : i32
      %parallel_loop3A_32 = arith.constant 200 : i32
      %parallel_loop3A_33 = arith.constant 1 : i32
      scf.for %parallel_loop3A_49 = %parallel_loop3A to %parallel_loop3A_32 step %parallel_loop3A_33  : i32 {
        %parallel_loop3A_50 = arith.index_cast %parallel_loop3A_49 : i32 to index
        %parallel_loop3A_51 = arith.constant 0 : index
        %parallel_loop3A_52 = tpu.vector_load %arg7[%parallel_loop3A_50, %parallel_loop3A_51] {strides = array<i32>} : memref<200x128xf32, #tpu.memory_space<vmem>>, vector<1x16xf32>,
        %parallel_loop3A_53 = vector.shape_cast %parallel_loop3A_52 : vector<1x16xf32> to vector<16xf32>
        %parallel_loop3A_54 = arith.index_cast %parallel_loop3A_49 : i32 to index
        %parallel_loop3A_55 = arith.constant 0 : index
        %parallel_loop3A_56 = tpu.vector_load %arg9[%parallel_loop3A_54, %parallel_loop3A_55] {strides = array<i32>} : memref<200x64xf32, #tpu.memory_space<vmem>>, vector<1x16xf32>,
        %parallel_loop3A_57 = vector.shape_cast %parallel_loop3A_56 : vector<1x16xf32> to vector<16xf32>
        %parallel_loop3A_58 = vector.shape_cast %parallel_loop3A_53 : vector<16xf32> to vector<1x16xf32>
        tpu.vector_store %arg9[%parallel_loop3A_54, %parallel_loop3A_55], %parallel_loop3A_58 {strides = array<i32>} : memref<200x64xf32, #tpu.memory_space<vmem>>, vector<1x16xf32>,
        %parallel_loop3A_59 = arith.index_cast %parallel_loop3A_49 : i32 to index
        %parallel_loop3A_60 = arith.constant 16 : index
        %parallel_loop3A_61 = tpu.vector_load %arg7[%parallel_loop3A_59, %parallel_loop3A_60] {strides = array<i32>} : memref<200x128xf32, #tpu.memory_space<vmem>>, vector<1x16xf32>,
        %parallel_loop3A_62 = vector.shape_cast %parallel_loop3A_61 : vector<1x16xf32> to vector<16xf32>
        %parallel_loop3A_63 = arith.index_cast %parallel_loop3A_49 : i32 to index
        %parallel_loop3A_64 = arith.constant 16 : index
        %parallel_loop3A_65 = tpu.vector_load %arg9[%parallel_loop3A_63, %parallel_loop3A_64] {strides = array<i32>} : memref<200x64xf32, #tpu.memory_space<vmem>>, vector<1x16xf32>,
        %parallel_loop3A_66 = vector.shape_cast %parallel_loop3A_65 : vector<1x16xf32> to vector<16xf32>
        %parallel_loop3A_67 = vector.shape_cast %parallel_loop3A_62 : vector<16xf32> to vector<1x16xf32>
        tpu.vector_store %arg9[%parallel_loop3A_63, %parallel_loop3A_64], %parallel_loop3A_67 {strides = array<i32>} : memref<200x64xf32, #tpu.memory_space<vmem>>, vector<1x16xf32>,
        %parallel_loop3A_68 = arith.index_cast %parallel_loop3A_49 : i32 to index
        %parallel_loop3A_69 = arith.constant 32 : index
        %parallel_loop3A_70 = tpu.vector_load %arg7[%parallel_loop3A_68, %parallel_loop3A_69] {strides = array<i32>} : memref<200x128xf32, #tpu.memory_space<vmem>>, vector<1x16xf32>,
        %parallel_loop3A_71 = vector.shape_cast %parallel_loop3A_70 : vector<1x16xf32> to vector<16xf32>
        %parallel_loop3A_72 = arith.index_cast %parallel_loop3A_49 : i32 to index
        %parallel_loop3A_73 = arith.constant 32 : index
        %parallel_loop3A_74 = tpu.vector_load %arg9[%parallel_loop3A_72, %parallel_loop3A_73] {strides = array<i32>} : memref<200x64xf32, #tpu.memory_space<vmem>>, vector<1x16xf32>,
        %parallel_loop3A_75 = vector.shape_cast %parallel_loop3A_74 : vector<1x16xf32> to vector<16xf32>
        %parallel_loop3A_76 = vector.shape_cast %parallel_loop3A_71 : vector<16xf32> to vector<1x16xf32>
        tpu.vector_store %arg9[%parallel_loop3A_72, %parallel_loop3A_73], %parallel_loop3A_76 {strides = array<i32>} : memref<200x64xf32, #tpu.memory_space<vmem>>, vector<1x16xf32>,
        %parallel_loop3A_77 = arith.index_cast %parallel_loop3A_49 : i32 to index
        %parallel_loop3A_78 = arith.constant 48 : index
        %parallel_loop3A_79 = tpu.vector_load %arg7[%parallel_loop3A_77, %parallel_loop3A_78] {strides = array<i32>} : memref<200x128xf32, #tpu.memory_space<vmem>>, vector<1x16xf32>,
        %parallel_loop3A_80 = vector.shape_cast %parallel_loop3A_79 : vector<1x16xf32> to vector<16xf32>
        %parallel_loop3A_81 = arith.index_cast %parallel_loop3A_49 : i32 to index
        %parallel_loop3A_82 = arith.constant 48 : index
        %parallel_loop3A_83 = tpu.vector_load %arg9[%parallel_loop3A_81, %parallel_loop3A_82] {strides = array<i32>} : memref<200x64xf32, #tpu.memory_space<vmem>>, vector<1x16xf32>,
        %parallel_loop3A_84 = vector.shape_cast %parallel_loop3A_83 : vector<1x16xf32> to vector<16xf32>
        %parallel_loop3A_85 = vector.shape_cast %parallel_loop3A_80 : vector<16xf32> to vector<1x16xf32>
        tpu.vector_store %arg9[%parallel_loop3A_81, %parallel_loop3A_82], %parallel_loop3A_85 {strides = array<i32>} : memref<200x64xf32, #tpu.memory_space<vmem>>, vector<1x16xf32>,
      } {sc.loop_unroll_factor = 8 : i64, sc.parallel_access}
      %add3A_34 = arith.addi %mul3A_4, %mul3A_20 : i32
      "tpu.region"() ({
        %run_scoped3A = tpu.sem_alloc : memref<!tpu.dma_semaphore, #tpu.memory_space<semaphore_mem>>
        %dma_start3A_49 = arith.constant 0 : i32
        %dma_start3A_50 = arith.constant 0 : i32
        %dma_start3A_51 = tpu.memref_slice %arg4[%add3A_34, %dma_start3A_49, %dma_start3A_50] : memref<4096x200x64xf32, #tpu.memory_space<hbm>> -> memref<1x200x64xf32, #tpu.memory_space<hbm>>
        %dma_start3A_52 = tpu.memref_squeeze %dma_start3A_51 : memref<1x200x64xf32, #tpu.memory_space<hbm>> -> memref<200x64xf32, #tpu.memory_space<hbm>>
        %dma_start3A_53 = arith.constant 0 : i32
        %dma_start3A_54 = arith.constant 0 : i32
        %dma_start3A_55 = tpu.memref_slice %arg4[%add3A_34, %dma_start3A_53, %dma_start3A_54] : memref<4096x200x64xf32, #tpu.memory_space<hbm>> -> memref<1x200x64xf32, #tpu.memory_space<hbm>>
        %dma_start3A_56 = tpu.memref_squeeze %dma_start3A_55 : memref<1x200x64xf32, #tpu.memory_space<hbm>> -> memref<200x64xf32, #tpu.memory_space<hbm>>
        tpu.enqueue_dma source(%arg9 : memref<200x64xf32, #tpu.memory_space<vmem>>) target(%dma_start3A_56 : memref<200x64xf32, #tpu.memory_space<hbm>>) target_semaphore(%run_scoped3A : memref<!tpu.dma_semaphore, #tpu.memory_space<semaphore_mem>>)
        %dma_wait3A_57 = arith.constant 0 : i32
        %dma_wait3A_58 = arith.constant 0 : i32
        %dma_wait3A_59 = tpu.memref_slice %arg4[%add3A_34, %dma_wait3A_57, %dma_wait3A_58] : memref<4096x200x64xf32, #tpu.memory_space<hbm>> -> memref<1x200x64xf32, #tpu.memory_space<hbm>>
        %dma_wait3A_60 = tpu.memref_squeeze %dma_wait3A_59 : memref<1x200x64xf32, #tpu.memory_space<hbm>> -> memref<200x64xf32, #tpu.memory_space<hbm>>
        %dma_wait3A_61 = arith.constant 0 : i32
        %dma_wait3A_62 = arith.constant 0 : i32
        %dma_wait3A_63 = tpu.memref_slice %arg4[%add3A_34, %dma_wait3A_61, %dma_wait3A_62] : memref<4096x200x64xf32, #tpu.memory_space<hbm>> -> memref<1x200x64xf32, #tpu.memory_space<hbm>>
        %dma_wait3A_64 = tpu.memref_squeeze %dma_wait3A_63 : memref<1x200x64xf32, #tpu.memory_space<hbm>> -> memref<200x64xf32, #tpu.memory_space<hbm>>
        tpu.wait_dma2 semaphore(%run_scoped3A : memref<!tpu.dma_semaphore, #tpu.memory_space<semaphore_mem>>) src(%arg9 : memref<200x64xf32, #tpu.memory_space<vmem>>) dst(%dma_wait3A_64 : memref<200x64xf32, #tpu.memory_space<hbm>>)
        tpu.yield
      }) : () -> ()
      %dma_wait3A_35 = arith.constant 0 : i32
      %dma_wait3A_36 = arith.constant 0 : i32
      %dma_wait3A_37 = tpu.memref_slice %arg11[%dma_wait3A_35, %dma_wait3A_36] : memref<2000x128xf32, #tpu.memory_space<vmem_shared>> -> memref<2000x128xf32, #tpu.memory_space<vmem_shared>>
      tpu.wait_indirect_dma semaphore(%arg15 : memref<!tpu.dma_semaphore, #tpu.memory_space<semaphore_mem>>) src(%dma_wait3A_37 : memref<2000x128xf32, #tpu.memory_space<vmem_shared>>) dst(%arg8 : memref<200x128xf32, #tpu.memory_space<vmem>>)
      %lt3A_38 = arith.constant 63 : i32
      %lt3A_39 = arith.cmpi slt, %scan3A_18, %lt3A_38 : i32
      %convert_element_type3A_40 = arith.extui %lt3A_39 : i1 to i32
      %cond3A_41 = arith.constant 0 : i32
      %cond3A_42 = arith.cmpi ne, %convert_element_type3A_40, %cond3A_41 : i32
      scf.if %cond3A_42 {
        %dma_wait3A_49 = tpu.memref_slice %arg2[%mul3A_2] : memref<819200xi32, #tpu.memory_space<hbm>> -> memref<200xi32, #tpu.memory_space<hbm>>
        %dma_wait3A_50 = tpu.memref_slice %arg2[%mul3A_2] : memref<819200xi32, #tpu.memory_space<hbm>> -> memref<200xi32, #tpu.memory_space<hbm>>
        tpu.wait_dma2 semaphore(%arg12 : memref<!tpu.dma_semaphore, #tpu.memory_space<semaphore_mem>>) src(%dma_wait3A_50 : memref<200xi32, #tpu.memory_space<hbm>>) dst(%arg5 : memref<200xi32, #tpu.memory_space<vmem>>)
        %dma_start3A_51 = arith.constant 0 : i32
        %dma_start3A_52 = arith.constant 0 : i32
        %dma_start3A_53 = tpu.memref_slice %arg11[%dma_start3A_51, %dma_start3A_52] : memref<2000x128xf32, #tpu.memory_space<vmem_shared>> -> memref<2000x128xf32, #tpu.memory_space<vmem_shared>>
        tpu.enqueue_indirect_dma source(%dma_start3A_53 : memref<2000x128xf32, #tpu.memory_space<vmem_shared>>) target(%arg7 : memref<200x128xf32, #tpu.memory_space<vmem>>) offsets(%arg5 : memref<200xi32, #tpu.memory_space<vmem>>) semaphore(%arg14 : memref<!tpu.dma_semaphore, #tpu.memory_space<semaphore_mem>>)
        %add3A_54 = arith.constant 3 : i32
        %add3A_55 = arith.addi %mul3A_20, %add3A_54 : i32
        %mul3A_56 = arith.constant 200 : i32
        %mul3A_57 = arith.muli %add3A_55, %mul3A_56 : i32
        %add3A_58 = arith.addi %mul3A_2, %mul3A_57 : i32
        %dma_start3A_59 = tpu.memref_slice %arg2[%add3A_58] : memref<819200xi32, #tpu.memory_space<hbm>> -> memref<200xi32, #tpu.memory_space<hbm>>
        %dma_start3A_60 = tpu.memref_slice %arg2[%add3A_58] : memref<819200xi32, #tpu.memory_space<hbm>> -> memref<200xi32, #tpu.memory_space<hbm>>
        tpu.enqueue_dma source(%dma_start3A_60 : memref<200xi32, #tpu.memory_space<hbm>>) target(%arg6 : memref<200xi32, #tpu.memory_space<vmem>>) target_semaphore(%arg13 : memref<!tpu.dma_semaphore, #tpu.memory_space<semaphore_mem>>)
      } else {
      }
      %parallel_loop3A_43 = arith.constant 0 : i32
      %parallel_loop3A_44 = arith.constant 200 : i32
      %parallel_loop3A_45 = arith.constant 1 : i32
      scf.for %parallel_loop3A_49 = %parallel_loop3A_43 to %parallel_loop3A_44 step %parallel_loop3A_45  : i32 {
        %parallel_loop3A_50 = arith.index_cast %parallel_loop3A_49 : i32 to index
        %parallel_loop3A_51 = arith.constant 0 : index
        %parallel_loop3A_52 = tpu.vector_load %arg8[%parallel_loop3A_50, %parallel_loop3A_51] {strides = array<i32>} : memref<200x128xf32, #tpu.memory_space<vmem>>, vector<1x16xf32>,
        %parallel_loop3A_53 = vector.shape_cast %parallel_loop3A_52 : vector<1x16xf32> to vector<16xf32>
        %parallel_loop3A_54 = arith.index_cast %parallel_loop3A_49 : i32 to index
        %parallel_loop3A_55 = arith.constant 0 : index
        %parallel_loop3A_56 = tpu.vector_load %arg10[%parallel_loop3A_54, %parallel_loop3A_55] {strides = array<i32>} : memref<200x64xf32, #tpu.memory_space<vmem>>, vector<1x16xf32>,
        %parallel_loop3A_57 = vector.shape_cast %parallel_loop3A_56 : vector<1x16xf32> to vector<16xf32>
        %parallel_loop3A_58 = vector.shape_cast %parallel_loop3A_53 : vector<16xf32> to vector<1x16xf32>
        tpu.vector_store %arg10[%parallel_loop3A_54, %parallel_loop3A_55], %parallel_loop3A_58 {strides = array<i32>} : memref<200x64xf32, #tpu.memory_space<vmem>>, vector<1x16xf32>,
        %parallel_loop3A_59 = arith.index_cast %parallel_loop3A_49 : i32 to index
        %parallel_loop3A_60 = arith.constant 16 : index
        %parallel_loop3A_61 = tpu.vector_load %arg8[%parallel_loop3A_59, %parallel_loop3A_60] {strides = array<i32>} : memref<200x128xf32, #tpu.memory_space<vmem>>, vector<1x16xf32>,
        %parallel_loop3A_62 = vector.shape_cast %parallel_loop3A_61 : vector<1x16xf32> to vector<16xf32>
        %parallel_loop3A_63 = arith.index_cast %parallel_loop3A_49 : i32 to index
        %parallel_loop3A_64 = arith.constant 16 : index
        %parallel_loop3A_65 = tpu.vector_load %arg10[%parallel_loop3A_63, %parallel_loop3A_64] {strides = array<i32>} : memref<200x64xf32, #tpu.memory_space<vmem>>, vector<1x16xf32>,
        %parallel_loop3A_66 = vector.shape_cast %parallel_loop3A_65 : vector<1x16xf32> to vector<16xf32>
        %parallel_loop3A_67 = vector.shape_cast %parallel_loop3A_62 : vector<16xf32> to vector<1x16xf32>
        tpu.vector_store %arg10[%parallel_loop3A_63, %parallel_loop3A_64], %parallel_loop3A_67 {strides = array<i32>} : memref<200x64xf32, #tpu.memory_space<vmem>>, vector<1x16xf32>,
        %parallel_loop3A_68 = arith.index_cast %parallel_loop3A_49 : i32 to index
        %parallel_loop3A_69 = arith.constant 32 : index
        %parallel_loop3A_70 = tpu.vector_load %arg8[%parallel_loop3A_68, %parallel_loop3A_69] {strides = array<i32>} : memref<200x128xf32, #tpu.memory_space<vmem>>, vector<1x16xf32>,
        %parallel_loop3A_71 = vector.shape_cast %parallel_loop3A_70 : vector<1x16xf32> to vector<16xf32>
        %parallel_loop3A_72 = arith.index_cast %parallel_loop3A_49 : i32 to index
        %parallel_loop3A_73 = arith.constant 32 : index
        %parallel_loop3A_74 = tpu.vector_load %arg10[%parallel_loop3A_72, %parallel_loop3A_73] {strides = array<i32>} : memref<200x64xf32, #tpu.memory_space<vmem>>, vector<1x16xf32>,
        %parallel_loop3A_75 = vector.shape_cast %parallel_loop3A_74 : vector<1x16xf32> to vector<16xf32>
        %parallel_loop3A_76 = vector.shape_cast %parallel_loop3A_71 : vector<16xf32> to vector<1x16xf32>
        tpu.vector_store %arg10[%parallel_loop3A_72, %parallel_loop3A_73], %parallel_loop3A_76 {strides = array<i32>} : memref<200x64xf32, #tpu.memory_space<vmem>>, vector<1x16xf32>,
        %parallel_loop3A_77 = arith.index_cast %parallel_loop3A_49 : i32 to index
        %parallel_loop3A_78 = arith.constant 48 : index
        %parallel_loop3A_79 = tpu.vector_load %arg8[%parallel_loop3A_77, %parallel_loop3A_78] {strides = array<i32>} : memref<200x128xf32, #tpu.memory_space<vmem>>, vector<1x16xf32>,
        %parallel_loop3A_80 = vector.shape_cast %parallel_loop3A_79 : vector<1x16xf32> to vector<16xf32>
        %parallel_loop3A_81 = arith.index_cast %parallel_loop3A_49 : i32 to index
        %parallel_loop3A_82 = arith.constant 48 : index
        %parallel_loop3A_83 = tpu.vector_load %arg10[%parallel_loop3A_81, %parallel_loop3A_82] {strides = array<i32>} : memref<200x64xf32, #tpu.memory_space<vmem>>, vector<1x16xf32>,
        %parallel_loop3A_84 = vector.shape_cast %parallel_loop3A_83 : vector<1x16xf32> to vector<16xf32>
        %parallel_loop3A_85 = vector.shape_cast %parallel_loop3A_80 : vector<16xf32> to vector<1x16xf32>
        tpu.vector_store %arg10[%parallel_loop3A_81, %parallel_loop3A_82], %parallel_loop3A_85 {strides = array<i32>} : memref<200x64xf32, #tpu.memory_space<vmem>>, vector<1x16xf32>,
      } {sc.loop_unroll_factor = 8 : i64, sc.parallel_access}
      %add3A_46 = arith.addi %mul3A_4, %mul3A_20 : i32
      %add3A_47 = arith.constant 1 : i32
      %add3A_48 = arith.addi %add3A_46, %add3A_47 : i32
      "tpu.region"() ({
        %run_scoped3A = tpu.sem_alloc : memref<!tpu.dma_semaphore, #tpu.memory_space<semaphore_mem>>
        %dma_start3A_49 = arith.constant 0 : i32
        %dma_start3A_50 = arith.constant 0 : i32
        %dma_start3A_51 = tpu.memref_slice %arg4[%add3A_48, %dma_start3A_49, %dma_start3A_50] : memref<4096x200x64xf32, #tpu.memory_space<hbm>> -> memref<1x200x64xf32, #tpu.memory_space<hbm>>
        %dma_start3A_52 = tpu.memref_squeeze %dma_start3A_51 : memref<1x200x64xf32, #tpu.memory_space<hbm>> -> memref<200x64xf32, #tpu.memory_space<hbm>>
        %dma_start3A_53 = arith.constant 0 : i32
        %dma_start3A_54 = arith.constant 0 : i32
        %dma_start3A_55 = tpu.memref_slice %arg4[%add3A_48, %dma_start3A_53, %dma_start3A_54] : memref<4096x200x64xf32, #tpu.memory_space<hbm>> -> memref<1x200x64xf32, #tpu.memory_space<hbm>>
        %dma_start3A_56 = tpu.memref_squeeze %dma_start3A_55 : memref<1x200x64xf32, #tpu.memory_space<hbm>> -> memref<200x64xf32, #tpu.memory_space<hbm>>
        tpu.enqueue_dma source(%arg10 : memref<200x64xf32, #tpu.memory_space<vmem>>) target(%dma_start3A_56 : memref<200x64xf32, #tpu.memory_space<hbm>>) target_semaphore(%run_scoped3A : memref<!tpu.dma_semaphore, #tpu.memory_space<semaphore_mem>>)
        %dma_wait3A_57 = arith.constant 0 : i32
        %dma_wait3A_58 = arith.constant 0 : i32
        %dma_wait3A_59 = tpu.memref_slice %arg4[%add3A_48, %dma_wait3A_57, %dma_wait3A_58] : memref<4096x200x64xf32, #tpu.memory_space<hbm>> -> memref<1x200x64xf32, #tpu.memory_space<hbm>>
        %dma_wait3A_60 = tpu.memref_squeeze %dma_wait3A_59 : memref<1x200x64xf32, #tpu.memory_space<hbm>> -> memref<200x64xf32, #tpu.memory_space<hbm>>
        %dma_wait3A_61 = arith.constant 0 : i32
        %dma_wait3A_62 = arith.constant 0 : i32
        %dma_wait3A_63 = tpu.memref_slice %arg4[%add3A_48, %dma_wait3A_61, %dma_wait3A_62] : memref<4096x200x64xf32, #tpu.memory_space<hbm>> -> memref<1x200x64xf32, #tpu.memory_space<hbm>>
        %dma_wait3A_64 = tpu.memref_squeeze %dma_wait3A_63 : memref<1x200x64xf32, #tpu.memory_space<hbm>> -> memref<200x64xf32, #tpu.memory_space<hbm>>
        tpu.wait_dma2 semaphore(%run_scoped3A : memref<!tpu.dma_semaphore, #tpu.memory_space<semaphore_mem>>) src(%arg10 : memref<200x64xf32, #tpu.memory_space<vmem>>) dst(%dma_wait3A_64 : memref<200x64xf32, #tpu.memory_space<hbm>>)
        tpu.yield
      }) : () -> ()
    }
    %scan3A_17 = arith.constant 64 : i32
    return
  }
}

</mosaic_0001>

<sc_bundles>
// kernel: kernel.3.cloned.1.call-start
scs
__scs_entry_jumppad:
0x0: {  	(pc) =	sbr.rel $0x88, $3  }
0x1: {  	(tag) =	ssettag $0x0;
	lr =	simm.s32 $0x1  }
0x2: {  	[smem:$0x3F9F] =	sst lr;
	_ =	strace $0xD0000000  }
0x3: {  	_ = 	snop  }
0x4: {  	_ = 	snop  }
0x5: {  	_ = 	snop  }
0x6: {  	_ = 	snop  }
0x7: {  	_ = 	snop  }
__scs_overlays_trampoline_lowered:
0x8: {  	[smem:$0x3FAE] =	sst s0  }
0x9: {  	[smem:$0x3FAF] =	sst s1  }
0xa: {  	[smem:$0x3FB0] =	sst s2  }
0xb: {  	[smem:$0x3FB1] =	sst s3  }
0xc: {  	[smem:$0x3FB2] =	sst s4  }
0xd: {  	[smem:$0x3FB3] =	sst s5  }
0xe: {  	[smem:$0x3FB4] =	sst s6  }
0xf: {  	[smem:$0x3FB5] =	sst s7  }
0x10: {  	[smem:$0x3FB6] =	sst s8  }
0x11: {  	[smem:$0x3FB7] =	sst s9;
	s0 =	simm.s32 @!p0 $0x0  }
0x12: {  	s1 =	sld [smem:$0x3F9D];
	s0 =	simm.s32 @p0 $0x1  }
0x13: {  	[smem:$0x3FB8] =	sst s0;
	s0 =	simm.s32 @!p1 $0x0  }
0x14: {  	s2 =	sld [smem:$0x3F9C];
	s0 =	simm.s32 @p1 $0x1  }
0x15: {  	[smem:$0x3FB9] =	sst s0;
	s0 =	simm.s32 @!p2 $0x0  }
0x16: {  	s3 =	sld [smem:$0x3FDB];
	s0 =	simm.s32 @p2 $0x1  }
0x17: {  	s4 =	simm.s32 $0x1BF5;
	[smem:$0x3FBB] =	sst s0  }
0x18: {  	s0 =	sld [smem:$0x3F9E];
	_ =	swait.ge [sflag:s4], $0x0  }
0x19: {  	s7 =	sld [smem:$0x3F9F]  }
0x1a: {  	s8 =	sadd.s32 $0xFFFFE003, lr  }
0x1b: {  	s9 =	sadd.s32 $0xFFFFFEF7, lr;
	s5 =	simm.s32 $0xFFFFFFFF;
	p2 =	slt.u32 s8, $0xFFFFF086  }
0x1c: {  	p1 =	slt.u32 s9, $0xF7A;
	s5 =	simm.s32 @!p2 $0x0  }
0x1d: {  	s5 =	simm.s32 @p1 $0x1;
	p0 =	seq.s32 s7, s2  }
0x1e: {  	s7 =	smul.u32 @!p0 $0xF7A, s2;
	p2 =	seq.s32 @!p0 s5, $0x0  }
0x1f: {  	s9 =	smul.u32 $0xF7A, s1;
	s8 =	simm.s32 @!p0 $0x1BF5;
	p2 =	por !p2, p0  }
0x20: {  	[sflag:s8] =	ssyncset.s32 @!p0 $0xFFFFF086;
	s6 =	sadd.s32 @!p0 s3, s7;
	s7 =	simm.s32 @!p0 $0x108  }
0x21: {  	s3 =	sadd.s32 s3, s9;
	s6 =	sadd.s32 @!p0 $0x88, s6;
	s7 =	simm.s32 @p2 $0x1082  }
0x22: {  	[simem:s7], [sflag:s8] =	dma.local @!p0 [hbm:s6], $0xF7A  }
0x23: {  	s9 =	sor.u32 $0xD0000000, s2;
	s6 =	simm.s32 $0x108;
	_ =	swait.ge @!p0 [sflag:s8], $0x0  }
0x24: {  	s3 =	sadd.s32 $0x88, s3;
	s6 =	simm.s32 @!p1 $0x1082;
	[sflag:s4] =	ssyncset.s32 $0xFFFFF086  }
0x25: {  	[simem:s6], [sflag:s4] =	dma.local [hbm:s3], $0xF7A  }
0x26: {  	[smem:$0x3F9F] =	sst s1;
	(tag) =	ssettag s2;
	_ =	strace s9  }
0x27: {  	s1 =	sld [smem:$0x3FAF]  }
0x28: {  	s2 =	sld [smem:$0x3FB0]  }
0x29: {  	s4 =	sld [smem:$0x3FB2]  }
0x2a: {  	p0 =	seq.s32 s5, $0x0;
	s5 =	sld [smem:$0x3FB3]  }
0x2b: {  	s6 =	sld [smem:$0x3FB4]  }
0x2c: {  	s7 =	sld [smem:$0x3FB5]  }
0x2d: {  	s3 =	simm.s32 $0x108;
	s8 =	sld [smem:$0x3FB6]  }
0x2e: {  	s3 =	simm.s32 @!p0 $0x1082;
	s9 =	sld [smem:$0x3FB7]  }
0x2f: {  	lr =	sadd.s32 s0, s3;
	s0 =	sld [smem:$0x3FAE]  }
0x30: {  	s3 =	sld [smem:$0x3FB1]  }
0x31: {  	[smem:$0x3FBA] =	sst s10  }
0x32: {  	s10 =	sld [smem:$0x3FB8];
	_ =	sdelay $0x3  }
0x33: {  	p0 =	seq.s32 s10, $0x1;
	s10 =	sld [smem:$0x3FBA];
	_ =	sdelay $0x3  }
0x34: {  	[smem:$0x3FBA] =	sst s10  }
0x35: {  	s10 =	sld [smem:$0x3FB9];
	_ =	sdelay $0x3  }
0x36: {  	p1 =	seq.s32 s10, $0x1;
	s10 =	sld [smem:$0x3FBA];
	_ =	sdelay $0x3  }
0x37: {  	[smem:$0x3FBA] =	sst s10  }
0x38: {  	s10 =	sld [smem:$0x3FBB]  }
0x39: {  	_ = 	snop;
	(pc) =	sbr.ind lr, $3  }
0x3a: {  	_ = 	snop  }
0x3b: {  	_ = 	snop  }
0x3c: {  	p2 =	seq.s32 s10, $0x1;
	s10 =	sld [smem:$0x3FBA]  }
0x3d: {  	_ =	shalt  }
0x3e: {  	_ =	shalt  }
0x3f: {  	_ =	shalt  }
0x40: {  	_ =	shalt  }
0x41: {  	_ =	shalt  }
0x42: {  	_ =	shalt  }
0x43: {  	_ =	shalt  }
0x44: {  	_ =	shalt  }
0x45: {  	_ =	shalt  }
0x46: {  	_ =	shalt  }
0x47: {  	_ =	shalt  }
0x48: {  	_ =	shalt  }
0x49: {  	_ =	shalt  }
0x4a: {  	_ =	shalt  }
0x4b: {  	_ =	shalt  }
0x4c: {  	_ =	shalt  }
0x4d: {  	_ =	shalt  }
0x4e: {  	_ =	shalt  }
0x4f: {  	_ =	shalt  }
0x50: {  	_ =	shalt  }
0x51: {  	_ =	shalt  }
0x52: {  	_ =	shalt  }
0x53: {  	_ =	shalt  }
0x54: {  	_ =	shalt  }
0x55: {  	_ =	shalt  }
0x56: {  	_ =	shalt  }
0x57: {  	_ =	shalt  }
0x58: {  	_ =	shalt  }
0x59: {  	_ =	shalt  }
0x5a: {  	_ =	shalt  }
0x5b: {  	_ =	shalt  }
0x5c: {  	_ =	shalt  }
0x5d: {  	_ =	shalt  }
0x5e: {  	_ =	shalt  }
0x5f: {  	_ =	shalt  }
0x60: {  	_ =	shalt  }
0x61: {  	_ =	shalt  }
0x62: {  	_ =	shalt  }
0x63: {  	_ =	shalt  }
0x64: {  	_ =	shalt  }
0x65: {  	_ =	shalt  }
0x66: {  	_ =	shalt  }
0x67: {  	_ =	shalt  }
0x68: {  	_ =	shalt  }
0x69: {  	_ =	shalt  }
0x6a: {  	_ =	shalt  }
0x6b: {  	_ =	shalt  }
0x6c: {  	_ =	shalt  }
0x6d: {  	_ =	shalt  }
0x6e: {  	_ =	shalt  }
0x6f: {  	_ =	shalt  }
0x70: {  	_ =	shalt  }
0x71: {  	_ =	shalt  }
0x72: {  	_ =	shalt  }
0x73: {  	_ =	shalt  }
0x74: {  	_ =	shalt  }
0x75: {  	_ =	shalt  }
0x76: {  	_ =	shalt  }
0x77: {  	_ =	shalt  }
0x78: {  	_ =	shalt  }
0x79: {  	_ =	shalt  }
0x7a: {  	_ =	shalt  }
0x7b: {  	_ =	shalt  }
0x7c: {  	_ =	shalt  }
0x7d: {  	_ =	shalt  }
0x7e: {  	_ =	shalt  }
0x7f: {  	_ =	shalt  }
0x80: {  	_ =	shalt  }
0x81: {  	_ =	shalt  }
0x82: {  	_ =	shalt  }
0x83: {  	_ =	shalt  }
0x84: {  	_ =	shalt  }
0x85: {  	_ =	shalt  }
0x86: {  	_ =	shalt  }
0x87: {  	_ =	shalt  }
.Lfunc_end0:
.L_simem_size_0:
called_computation_lowered:
.L_overlay_start_0:
0x88: {  	s2 =	sld [smem:$0x3FD9]  }
0x89: {  	s3 =	sld [smem:$0x3FFE];
	_ =	sdelay $0x1  }
0x8a: {  	s1 =	srdreg.scid  }
0x8b: {  	s0 =	sand.u32 $0x1, s1  }
0x8c: {  	s17 =	sshll.u32 s0, $0xA;
	s2 =	sadd.s32 s3, s2  }
0x8d: {  	s2 =	sadd.s32 s2, s17  }
0x8e: {  	[smem:$0x3FC6] =	sst s2  }
0x8f: {  	_ = 	snop  }
0x90: {  	s2 =	sld [smem:$0x3FD0];
	(tm) =	ssettm $0x1  }
0x91: {  	s18 =	sld [smem:$0x3FFB];
	_ =	sdelay $0x3  }
0x92: {  	_ =	strace s18  }
0x93: {  	s3 =	sld [smem:$0x3FFC];
	_ =	sdelay $0x3  }
0x94: {  	_ =	strace s3  }
0x95: {  	s3 =	sld [smem:$0x3FFD];
	_ =	sdelay $0x3  }
0x96: {  	_ =	strace s3  }
0x97: {  	_ =	strace $0x8FFFFFFF  }
0x98: {  	s19 =	sld [smem:$0x3FDB];
	_ =	sdelay $0x1  }
0x99: {  	s4 =	simm.s32 $_scs_section_size  }
0x9a: {  	s5 =	simm.s32 $_size__tile_overlayer_lowered;
	s6 =	simm.s32 $_tile_overlayer_lowered  }
0x9b: {  	s22 =	simm.s32 $0x1BFF;
	s21 =	sshll.u32 s6, $0x1;
	s3 =	sadd.s32 s4, s19  }
0x9c: {  	s7 =	simm.s32 $0x0;
	s20 =	sshll.u32 s5, $0x1;
	s5 =	sadd.s32 s21, s3  }
0x9d: {  	[timem:s7], [sflag:s22] =	dma.local [hbm:s5], s20  }
0x9e: {  	_ =	swait.ge [sflag:s22], s20  }
0x9f: {  	s4 =	ssub.s32 $0x0, s20;
	[sflag:s22] =	ssyncset.done $0x0  }
0xa0: {  	[sflag:s22] =	ssyncadd.s32 s4;
	_ =	sdelay $0x1  }
0xa1: {  	s23 =	simm.s32 $0x1B8B  }
0xa2: {  	_ =	swait.ge [sflag:s23], $0x1  }
0xa3: {  	[sflag:s23] =	ssyncset.done $0x0  }
0xa4: {  	s25 =	simm.s32 $0x1B8E;
	s24 =	sld [smem:$0x3FFE];
	[sflag:s23] =	ssyncadd.s32 $0xFFFFFFFF  }
0xa5: {  	s26 =	simm.s32 $execute0_lowered;
	[smem:$0x3FD2] =	sst s25  }
0xa6: {  	s5 =	sshll.u32 s26, $0x1;
	_ =	strace $0x80000046;
	[dreg:$0x1] =	wrdreg $0xFFFFFFFF  }
0xa7: {  	s28 =	simm.s32 $_size_execute0_lowered;
	s3 =	sadd.s32 s3, s5;
	[dreg:$0x0] =	wrdreg $0x0  }
0xa8: {  	s5 =	sshll.u32 s28, $0x1;
	[dreg:$0x2] =	wrdreg s3  }
0xa9: {  	[dreg:$0x3] =	wrdreg s5  }
0xaa: {  	[dreg:$0x4] =	wrdreg $0xC0  }
0xab: {  	_ =	task [dreg:s7], $0x5FFFF  }
0xac: {  	[dreg:$0x1] =	wrdreg $0xFFFFFFFF  }
0xad: {  	[dreg:$0x0] =	wrdreg $0x60  }
0xae: {  	[dreg:$0x2] =	wrdreg s2  }
0xaf: {  	[dreg:$0x3] =	wrdreg s24  }
0xb0: {  	[dreg:$0x4] =	wrdreg $0x192000  }
0xb1: {  	[dreg:$0x5] =	wrdreg $0x9  }
0xb2: {  	_ =	task.clear_ibuf [dreg:s7], $0x6FFFF;
	_ =	strace $0x90000046  }
0xb3: {  	s29 =	simm.s32 $0x9;
	_ =	strace $0x80000048  }
0xb4: {  	_ =	swait.ge [sflag:s29], $0x1  }
0xb5: {  	[sflag:s29] =	ssyncadd.s32 $0xFFFFFFFF  }
0xb6: {  	_ =	strace $0x90000048  }
0xb7: {  	_ =	sfence  }
0xb8: {  	s30 =	sld [smem:$0x0];
	_ =	sdelay $0x2  }
0xb9: {  	s31 =	sshll.u32 s1, $0xD;
	s1 =	sshrl.u32 s1, $0x2  }
0xba: {  	s3 =	sand.u32 $0x4000, s31;
	s1 =	sadd.s32 s1, s30  }
0xbb: {  	s0 =	sor.u32 s3, s0;
	s1 =	sshll.u32 s1, $0x11  }
0xbc: {  	s0 =	sor.u32 s1, s0  }
0xbd: {  	s0 =	sadd.s32 $0x8F2B, s0  }
0xbe: {  	[sflag:s0] =	ssyncadd.remote.s32 $0x1  }
0xbf: {  	_ =	sfence.sel $0xFFFF  }
0xc0: {  	[dreg:$0x0] =	wrdreg $0xFFFFFFFF;
	(pc) =	sbr.abs _section_cstart, $3  }
0xc1: {  	[dreg:$0x1] =	wrdreg $0xFFFFFFFF  }
0xc2: {  	_ =	task.clear_ibuf [dreg:s7], $0x2FFFF;
	_ =	strace $0x9FFFFFFF  }
0xc3: {  	(tm) =	ssettm $0x7FFFFFFF  }
tec
execute0_lowered:
.L_overlay_start_1:
0x0: {  	(tag) =	ssettag $0x1  }
0x1: {  	s0 =	rddreg [dreg:$0x0]  }
0x2: {  	s5 =	rddreg [dreg:$0x1];
	s1 =	srdreg.scid  }
0x3: {  	s12 =	stileid.u32;
	s2 =	rddreg [dreg:$0x2]  }
0x4: {  	s3 =	simm.s32 $0x0;
	s13 =	simm.s32 $0x5;
	s14 =	simm.s32 $0xC8  }
0x5: {  	s15 =	simm.s32 $0x200;
	s16 =	simm.s32 $0x100;
	s17 =	simm.s32 $0x3  }
0x6: {  	s18 =	simm.s32 $0x2;
	s19 =	simm.s32 $0x6600;
	s20 =	simm.s32 $0xCA00  }
0x7: {  	s21 =	simm.s32 $0x4;
	s22 =	simm.s32 $0x12E00;
	s23 =	simm.s32 $0x0  }
0x8: {  	s4 =	sand.u32 $0x1, s1;
	s6 =	sshll.u32 s12, $0x1;
	s1 =	rddreg [dreg:$0x3]  }
0x9: {  	[smem:$0x7FF] =	sst s3;
	p0 =	sne.s32 s12, $0x0;
	s7 =	sor.u32 s4, s6  }
0xa: {  	_ =	strace $0x80000047;
	s31 =	ssub.s32 $0x2, s4;
	s10 =	smul.u32 $0x6400, s7  }
0xb: {  	s4 =	sadd.s32 $0x400, s5;
	s5 =	sadd.s32 $0x8200, s5;
	s8 =	sshrl.u32 s31, $0x1  }
0xc: {  	s12 =	sshrl.u32 @!p0 s2, $0x3;
	s11 =	ssub.s32 s31, s8;
	s9 =	sshrl.u32 s10, $0x3  }
0xd: {  	s7 =	sshll.u32 s7, $0x7;
	s11 =	smax.u32 s11, $0x1;
	s6 =	sadd.s32 s0, s9  }
0xe: {  	s9 =	sor.u32 $0x190, s10;
	s10 =	sor.u32 $0x258, s10;
	s8 =	sadd.s32 $0x19, s6  }
.LBB2_1:
0xf: {  	s24 =	simm.s32 @!p0 $0x1C05  }
0x10: {  	[spmem:s12], [sflag:s24] =	dma.local @!p0 [hbm:s4], $0x7D00  }
0x11: {  	s24 =	simm.s32 @!p0 $0x5  }
0x12: {  	_ =	swait.ge @!p0 [sflag:s24], $0x7D00  }
0x13: {  	[sflag:s24] =	ssyncset.done @!p0 $0x0  }
0x14: {  	[sflag:s24] =	ssyncadd.s32 @!p0 $0xFFFF8300  }
0x15: {  	[bflag:$0x0] =	sbarrier.arrive $0xFFFF  }
0x16: {  	[tilespmem:s3], [sflag:$0x5] =	stream.linear.gather [hbm4b:s6+s3], $0xC8, $0x38;
	[tilespmem:$0x1D080] =	vst v63  }
0x17: {  	_ =	swait.ge [sflag:s13], $0xC8  }
0x18: {  	[sflag:s13] =	ssyncset.done $0x0  }
0x19: {  	[sflag:s13] =	ssyncadd.s32 $0xFFFFFF38  }
0x1a: {  	[tilespmem:s15], [sflag:$0x3] =	stream.indirect.gather [spmem:s2], $0x80, s3, s14, $0xb8;
	[tilespmem:$0x1D080] =	vst v63  }
0x1b: {  	s24 =	simm.s32 $0x0  }
0x1c: {  	[tilespmem:s16], [sflag:$0x2] =	stream.linear.gather [hbm4b:s8+s3], $0xC8, $0x38;
	[tilespmem:$0x1D080] =	vst v63  }
.LBB2_2:
0x1d: {  	_ =	swait.ge [sflag:s17], $0x6400  }
0x1e: {  	p1 =	seq.s32 s24, $0x3F;
	[sflag:s17] =	ssyncset.done $0x0  }
0x1f: {  	s25 =	smul.u32 @!p1 $0x190, s24;
	[sflag:s17] =	ssyncadd.s32 $0xFFFF9C00  }
0x20: {  	_ =	swait.ge [sflag:s18], $0xC8  }
0x21: {  	s26 =	sadd.s32 @!p1 s25, s9;
	[sflag:s18] =	ssyncset.done $0x0  }
0x22: {  	s26 =	sshrl.u32 @!p1 s26, $0x3;
	[sflag:s18] =	ssyncadd.s32 $0xFFFFFF38  }
0x23: {  	[tilespmem:s19], [sflag:$0x4] =	stream.indirect.gather [spmem:s2], $0x80, s16, s14, $0xb8;
	[tilespmem:$0x1D080] =	vst v63  }
0x24: {  	s30 =	simm.s32 $0x400;
	s28 =	simm.s32 @!p1 $0x0;
	s26 =	sadd.s32 @!p1 s0, s26  }
0x25: {  	[tilespmem:s28], [sflag:$0x1] =	stream.linear.gather @!p1 [hbm4b:s26+s28], $0xC8, $0x38;
	[tilespmem:$0x1D080] =	vst v63  }
0x26: {  	v0 =	vld [tilespmem:s30+$0x180]  }
0x27: {  	v1 =	vld [tilespmem:s30+$0xFFFFFE80]  }
0x28: {  	v2 =	vld [tilespmem:s30+$0xFFFFFF00]  }
0x29: {  	v3 =	vld [tilespmem:s30+$0xFFFFFF80]  }
0x2a: {  	s28 =	simm.s32 $0xCC00;
	v4 =	vld [tilespmem:s30+$0x0]  }
0x2b: {  	v5 =	vld [tilespmem:s30+$0x80];
	[tilespmem:s28+$0x180] =	vst v0  }
0x2c: {  	[tilespmem:s28+$0xFFFFFE80] =	vst v1;
	v1 =	vld [tilespmem:s30+$0x100]  }
0x2d: {  	[tilespmem:s28+$0xFFFFFF00] =	vst v2;
	v2 =	vld [tilespmem:s30+$0xFFFFFE00]  }
0x2e: {  	[tilespmem:s28+$0xFFFFFF80] =	vst v3;
	v0 =	vld [tilespmem:s30+$0x190]  }
0x2f: {  	[tilespmem:s28+$0x0] =	vst v4;
	v3 =	vld [tilespmem:s30+$0xFFFFFE90]  }
0x30: {  	[tilespmem:s28+$0x80] =	vst v5;
	v4 =	vld [tilespmem:s30+$0xFFFFFF10]  }
0x31: {  	v5 =	vld [tilespmem:s30+$0xFFFFFF90];
	[tilespmem:s28+$0x100] =	vst v1  }
0x32: {  	[tilespmem:s28+$0xFFFFFE00] =	vst v2;
	v1 =	vld [tilespmem:s30+$0x10]  }
0x33: {  	[tilespmem:s28+$0x190] =	vst v0;
	v2 =	vld [tilespmem:s30+$0xFFFFFE10]  }
0x34: {  	[tilespmem:s28+$0xFFFFFE90] =	vst v3;
	v3 =	vld [tilespmem:s30+$0x90]  }
0x35: {  	[tilespmem:s28+$0xFFFFFF10] =	vst v4;
	v4 =	vld [tilespmem:s30+$0x110]  }
0x36: {  	[tilespmem:s28+$0xFFFFFF90] =	vst v5;
	v0 =	vld [tilespmem:s30+$0x1A0]  }
0x37: {  	v5 =	vld [tilespmem:s30+$0xFFFFFEA0];
	[tilespmem:s28+$0x10] =	vst v1  }
0x38: {  	v1 =	vld [tilespmem:s30+$0xFFFFFF20];
	[tilespmem:s28+$0xFFFFFE10] =	vst v2  }
0x39: {  	[tilespmem:s28+$0x90] =	vst v3;
	v3 =	vld [tilespmem:s30+$0xFFFFFFA0]  }
0x3a: {  	[tilespmem:s28+$0x110] =	vst v4;
	v2 =	vld [tilespmem:s30+$0xFFFFFE20]  }
0x3b: {  	v4 =	vld [tilespmem:s30+$0x20];
	[tilespmem:s28+$0x1A0] =	vst v0  }
0x3c: {  	[tilespmem:s28+$0xFFFFFEA0] =	vst v5;
	v0 =	vld [tilespmem:s30+$0x1B0]  }
0x3d: {  	v5 =	vld [tilespmem:s30+$0xA0];
	[tilespmem:s28+$0xFFFFFF20] =	vst v1  }
0x3e: {  	v6 =	vld [tilespmem:s30+$0x120];
	[tilespmem:s28+$0xFFFFFFA0] =	vst v3  }
0x3f: {  	v7 =	vld [tilespmem:s30+$0xFFFFFEB0];
	[tilespmem:s28+$0xFFFFFE20] =	vst v2  }
0x40: {  	[tilespmem:s28+$0x20] =	vst v4;
	v8 =	vld [tilespmem:s30+$0xFFFFFE30]  }
0x41: {  	[tilespmem:s28+$0x1B0] =	vst v0;
	v0 =	vld [tilespmem:s30+$0xFFFFFF30]  }
0x42: {  	v1 =	vld [tilespmem:s30+$0xFFFFFFB0];
	[tilespmem:s28+$0xA0] =	vst v5  }
0x43: {  	v2 =	vld [tilespmem:s30+$0x30];
	[tilespmem:s28+$0x120] =	vst v6  }
0x44: {  	[tilespmem:s28+$0xFFFFFEB0] =	vst v7;
	v3 =	vld [tilespmem:s30+$0xB0]  }
0x45: {  	s29 =	simm.s32 $0x0;
	s26 =	sshll.u32 s24, $0x1;
	v4 =	vld [tilespmem:s30+$0x130];
	s30 =	simm.s32 $0x800;
	[tilespmem:s28+$0xFFFFFE30] =	vst v8  }
.LBB2_3:
0x46: {  	v5 =	vld [tilespmem:s30+$0x180];
	s29 =	sadd.s32 $0x8, s29;
	[tilespmem:s28+$0xFFFFFF30] =	vst v0  }
0x47: {  	v0 =	vld [tilespmem:s30+$0xFFFFFE80];
	p2 =	slt.u32 s29, $0xC0;
	[tilespmem:s28+$0xFFFFFFB0] =	vst v1  }
0x48: {  	v1 =	vld [tilespmem:s30+$0xFFFFFF00];
	[tilespmem:s28+$0x30] =	vst v2  }
0x49: {  	v2 =	vld [tilespmem:s30+$0xFFFFFF80];
	[tilespmem:s28+$0xB0] =	vst v3  }
0x4a: {  	v3 =	vld [tilespmem:s30+$0x0];
	[tilespmem:s28+$0x130] =	vst v4;
	s28 =	sadd.s32 $0x400, s28  }
0x4b: {  	v4 =	vld [tilespmem:s30+$0x80];
	[tilespmem:s28+$0x180] =	vst v5  }
0x4c: {  	[tilespmem:s28+$0xFFFFFE80] =	vst v0;
	v0 =	vld [tilespmem:s30+$0x190]  }
0x4d: {  	[tilespmem:s28+$0xFFFFFF00] =	vst v1;
	v1 =	vld [tilespmem:s30+$0x100]  }
0x4e: {  	v5 =	vld [tilespmem:s30+$0xFFFFFE00];
	[tilespmem:s28+$0xFFFFFF80] =	vst v2  }
0x4f: {  	v2 =	vld [tilespmem:s30+$0xFFFFFE90];
	[tilespmem:s28+$0x0] =	vst v3  }
0x50: {  	v3 =	vld [tilespmem:s30+$0xFFFFFF10];
	[tilespmem:s28+$0x80] =	vst v4  }
0x51: {  	v4 =	vld [tilespmem:s30+$0xFFFFFF90];
	[tilespmem:s28+$0x190] =	vst v0  }
0x52: {  	[tilespmem:s28+$0x100] =	vst v1;
	v0 =	vld [tilespmem:s30+$0x1A0]  }
0x53: {  	[tilespmem:s28+$0xFFFFFE00] =	vst v5;
	v1 =	vld [tilespmem:s30+$0x10]  }
0x54: {  	v5 =	vld [tilespmem:s30+$0xFFFFFE10];
	[tilespmem:s28+$0xFFFFFE90] =	vst v2  }
0x55: {  	[tilespmem:s28+$0xFFFFFF10] =	vst v3;
	v2 =	vld [tilespmem:s30+$0x90]  }
0x56: {  	[tilespmem:s28+$0xFFFFFF90] =	vst v4;
	v3 =	vld [tilespmem:s30+$0x110]  }
0x57: {  	v4 =	vld [tilespmem:s30+$0xFFFFFEA0];
	[tilespmem:s28+$0x1A0] =	vst v0  }
0x58: {  	[tilespmem:s28+$0x10] =	vst v1;
	v0 =	vld [tilespmem:s30+$0x1B0]  }
0x59: {  	[tilespmem:s28+$0xFFFFFE10] =	vst v5;
	v1 =	vld [tilespmem:s30+$0xFFFFFF20]  }
0x5a: {  	v5 =	vld [tilespmem:s30+$0xFFFFFE20];
	[tilespmem:s28+$0x90] =	vst v2  }
0x5b: {  	v2 =	vld [tilespmem:s30+$0xFFFFFFA0];
	[tilespmem:s28+$0x110] =	vst v3  }
0x5c: {  	[tilespmem:s28+$0xFFFFFEA0] =	vst v4;
	v3 =	vld [tilespmem:s30+$0x20]  }
0x5d: {  	v4 =	vld [tilespmem:s30+$0xA0];
	[tilespmem:s28+$0x1B0] =	vst v0  }
0x5e: {  	[tilespmem:s28+$0xFFFFFF20] =	vst v1;
	v6 =	vld [tilespmem:s30+$0x120]  }
0x5f: {  	[tilespmem:s28+$0xFFFFFE20] =	vst v5;
	v5 =	vld [tilespmem:s30+$0xFFFFFEB0]  }
0x60: {  	v7 =	vld [tilespmem:s30+$0xFFFFFE30];
	[tilespmem:s28+$0xFFFFFFA0] =	vst v2  }
.Ltmp0:
0x61: {  	v0 =	vld [tilespmem:s30+$0xFFFFFF30];
	[tilespmem:s28+$0x20] =	vst v3;
	(pc) =	sbr.rel @p2 .LBB2_3-.Ltmp0, $4  }
0x62: {  	v1 =	vld [tilespmem:s30+$0xFFFFFFB0];
	[tilespmem:s28+$0xA0] =	vst v4  }
0x63: {  	v2 =	vld [tilespmem:s30+$0x30];
	[tilespmem:s28+$0x120] =	vst v6  }
0x64: {  	[tilespmem:s28+$0xFFFFFEB0] =	vst v5;
	v3 =	vld [tilespmem:s30+$0xB0]  }
0x65: {  	[tilespmem:s28+$0xFFFFFE30] =	vst v7;
	v4 =	vld [tilespmem:s30+$0x130];
	s30 =	sadd.s32 $0x400, s30  }
0x66: {  	[tilespmem:s28+$0xFFFFFF30] =	vst v0  }
0x67: {  	s26 =	sadd.s32 s7, s26;
	[tilespmem:s28+$0xFFFFFFB0] =	vst v1  }
0x68: {  	s29 =	smul.u32 $0xC80, s26;
	[tilespmem:s28+$0x30] =	vst v2  }
0x69: {  	[tilespmem:s28+$0xB0] =	vst v3  }
0x6a: {  	[tilespmem:s28+$0x130] =	vst v4;
	s28 =	sadd.s32 s5, s29  }
0x6b: {  	[hbm4b:s28+s3] =	stream.linear.scatter [tilespmem:s20], [sflag:$0x5], $0x6400, $0x38;
	[tilespmem:$0x1D080] =	vst v63  }
0x6c: {  	_ =	swait.ge [sflag:s13], $0x6400  }
0x6d: {  	[sflag:s13] =	ssyncset.done $0x0  }
0x6e: {  	[sflag:s13] =	ssyncadd.s32 $0xFFFF9C00  }
0x6f: {  	_ =	swait.ge [sflag:s21], $0x6400  }
0x70: {  	[sflag:s21] =	ssyncset.done $0x0  }
0x71: {  	s28 =	simm.s32 @!p1 $0x1;
	[sflag:s21] =	ssyncadd.s32 $0xFFFF9C00  }
0x72: {  	s25 =	sadd.s32 @!p1 s25, s10;
	_ =	swait.ge @!p1 [sflag:s28], $0xC8  }
0x73: {  	s30 =	simm.s32 @!p1 $0x200;
	s25 =	sshrl.u32 @!p1 s25, $0x3;
	[sflag:s28] =	ssyncset.done @!p1 $0x0  }
0x74: {  	s29 =	simm.s32 @!p1 $0x0;
	[sflag:s28] =	ssyncadd.s32 @!p1 $0xFFFFFF38;
	s28 =	simm.s32 @!p1 $0xC8  }
0x75: {  	[tilespmem:s30], [sflag:$0x3] =	stream.indirect.gather @!p1 [spmem:s2], $0x80, s29, s28, $0xb8;
	[tilespmem:$0x1D080] =	vst v63  }
0x76: {  	s25 =	sadd.s32 @!p1 s0, s25;
	s28 =	simm.s32 @!p1 $0x100  }
0x77: {  	[tilespmem:s28], [sflag:$0x2] =	stream.linear.gather @!p1 [hbm4b:s25+s29], $0xC8, $0x38;
	[tilespmem:$0x1D080] =	vst v63  }
0x78: {  	s29 =	simm.s32 $0x6800  }
0x79: {  	v0 =	vld [tilespmem:s29+$0x180]  }
0x7a: {  	v1 =	vld [tilespmem:s29+$0xFFFFFE80]  }
0x7b: {  	v2 =	vld [tilespmem:s29+$0xFFFFFF00]  }
0x7c: {  	v3 =	vld [tilespmem:s29+$0xFFFFFF80]  }
0x7d: {  	s25 =	simm.s32 $0x13000;
	v4 =	vld [tilespmem:s29+$0x0]  }
0x7e: {  	v5 =	vld [tilespmem:s29+$0x80];
	[tilespmem:s25+$0x180] =	vst v0  }
0x7f: {  	[tilespmem:s25+$0xFFFFFE80] =	vst v1;
	v1 =	vld [tilespmem:s29+$0x100]  }
0x80: {  	[tilespmem:s25+$0xFFFFFF00] =	vst v2;
	v2 =	vld [tilespmem:s29+$0xFFFFFE00]  }
0x81: {  	[tilespmem:s25+$0xFFFFFF80] =	vst v3;
	v0 =	vld [tilespmem:s29+$0x190]  }
0x82: {  	[tilespmem:s25+$0x0] =	vst v4;
	v3 =	vld [tilespmem:s29+$0xFFFFFE90]  }
0x83: {  	[tilespmem:s25+$0x80] =	vst v5;
	v4 =	vld [tilespmem:s29+$0xFFFFFF10]  }
0x84: {  	v5 =	vld [tilespmem:s29+$0xFFFFFF90];
	[tilespmem:s25+$0x100] =	vst v1  }
0x85: {  	[tilespmem:s25+$0xFFFFFE00] =	vst v2;
	v1 =	vld [tilespmem:s29+$0x10]  }
0x86: {  	[tilespmem:s25+$0x190] =	vst v0;
	v2 =	vld [tilespmem:s29+$0xFFFFFE10]  }
0x87: {  	[tilespmem:s25+$0xFFFFFE90] =	vst v3;
	v3 =	vld [tilespmem:s29+$0x90]  }
0x88: {  	[tilespmem:s25+$0xFFFFFF10] =	vst v4;
	v4 =	vld [tilespmem:s29+$0x110]  }
0x89: {  	[tilespmem:s25+$0xFFFFFF90] =	vst v5;
	v0 =	vld [tilespmem:s29+$0x1A0]  }
0x8a: {  	v5 =	vld [tilespmem:s29+$0xFFFFFEA0];
	[tilespmem:s25+$0x10] =	vst v1  }
0x8b: {  	v1 =	vld [tilespmem:s29+$0xFFFFFF20];
	[tilespmem:s25+$0xFFFFFE10] =	vst v2  }
0x8c: {  	[tilespmem:s25+$0x90] =	vst v3;
	v3 =	vld [tilespmem:s29+$0xFFFFFFA0]  }
0x8d: {  	[tilespmem:s25+$0x110] =	vst v4;
	v2 =	vld [tilespmem:s29+$0xFFFFFE20]  }
0x8e: {  	v4 =	vld [tilespmem:s29+$0x20];
	[tilespmem:s25+$0x1A0] =	vst v0  }
0x8f: {  	[tilespmem:s25+$0xFFFFFEA0] =	vst v5;
	v5 =	vld [tilespmem:s29+$0xA0]  }
0x90: {  	v0 =	vld [tilespmem:s29+$0x1B0];
	[tilespmem:s25+$0xFFFFFF20] =	vst v1  }
0x91: {  	v6 =	vld [tilespmem:s29+$0x120];
	[tilespmem:s25+$0xFFFFFFA0] =	vst v3  }
0x92: {  	v7 =	vld [tilespmem:s29+$0xFFFFFEB0];
	[tilespmem:s25+$0xFFFFFE20] =	vst v2  }
0x93: {  	[tilespmem:s25+$0x20] =	vst v4;
	v8 =	vld [tilespmem:s29+$0xFFFFFE30]  }
0x94: {  	v1 =	vld [tilespmem:s29+$0xFFFFFF30];
	[tilespmem:s25+$0xA0] =	vst v5  }
0x95: {  	[tilespmem:s25+$0x1B0] =	vst v0;
	v0 =	vld [tilespmem:s29+$0xFFFFFFB0]  }
0x96: {  	v2 =	vld [tilespmem:s29+$0x30];
	[tilespmem:s25+$0x120] =	vst v6  }
0x97: {  	[tilespmem:s25+$0xFFFFFEB0] =	vst v7;
	v3 =	vld [tilespmem:s29+$0xB0]  }
0x98: {  	s28 =	simm.s32 $0x0;
	v4 =	vld [tilespmem:s29+$0x130];
	s29 =	simm.s32 $0x6C00;
	[tilespmem:s25+$0xFFFFFE30] =	vst v8  }
.LBB2_5:
0x99: {  	v5 =	vld [tilespmem:s29+$0x180];
	s28 =	sadd.s32 $0x8, s28;
	[tilespmem:s25+$0xFFFFFF30] =	vst v1  }
0x9a: {  	v1 =	vld [tilespmem:s29+$0xFFFFFE80];
	p1 =	slt.u32 s28, $0xC0;
	[tilespmem:s25+$0xFFFFFFB0] =	vst v0  }
0x9b: {  	v0 =	vld [tilespmem:s29+$0xFFFFFF00];
	[tilespmem:s25+$0x30] =	vst v2  }
0x9c: {  	v2 =	vld [tilespmem:s29+$0xFFFFFF80];
	[tilespmem:s25+$0xB0] =	vst v3  }
0x9d: {  	v3 =	vld [tilespmem:s29+$0x0];
	[tilespmem:s25+$0x130] =	vst v4;
	s25 =	sadd.s32 $0x400, s25  }
0x9e: {  	v4 =	vld [tilespmem:s29+$0x80];
	[tilespmem:s25+$0x180] =	vst v5  }
0x9f: {  	[tilespmem:s25+$0xFFFFFE80] =	vst v1;
	v1 =	vld [tilespmem:s29+$0x190]  }
0xa0: {  	[tilespmem:s25+$0xFFFFFF00] =	vst v0;
	v0 =	vld [tilespmem:s29+$0x100]  }
0xa1: {  	v5 =	vld [tilespmem:s29+$0xFFFFFE00];
	[tilespmem:s25+$0xFFFFFF80] =	vst v2  }
0xa2: {  	v2 =	vld [tilespmem:s29+$0xFFFFFE90];
	[tilespmem:s25+$0x0] =	vst v3  }
0xa3: {  	v3 =	vld [tilespmem:s29+$0xFFFFFF10];
	[tilespmem:s25+$0x80] =	vst v4  }
0xa4: {  	v4 =	vld [tilespmem:s29+$0xFFFFFF90];
	[tilespmem:s25+$0x190] =	vst v1  }
0xa5: {  	[tilespmem:s25+$0x100] =	vst v0;
	v0 =	vld [tilespmem:s29+$0x1A0]  }
0xa6: {  	[tilespmem:s25+$0xFFFFFE00] =	vst v5;
	v1 =	vld [tilespmem:s29+$0x10]  }
0xa7: {  	v5 =	vld [tilespmem:s29+$0xFFFFFE10];
	[tilespmem:s25+$0xFFFFFE90] =	vst v2  }
0xa8: {  	[tilespmem:s25+$0xFFFFFF10] =	vst v3;
	v2 =	vld [tilespmem:s29+$0x90]  }
0xa9: {  	[tilespmem:s25+$0xFFFFFF90] =	vst v4;
	v3 =	vld [tilespmem:s29+$0x110]  }
0xaa: {  	v4 =	vld [tilespmem:s29+$0xFFFFFEA0];
	[tilespmem:s25+$0x1A0] =	vst v0  }
0xab: {  	[tilespmem:s25+$0x10] =	vst v1;
	v0 =	vld [tilespmem:s29+$0x1B0]  }
0xac: {  	[tilespmem:s25+$0xFFFFFE10] =	vst v5;
	v1 =	vld [tilespmem:s29+$0xFFFFFF20]  }
0xad: {  	v5 =	vld [tilespmem:s29+$0xFFFFFE20];
	[tilespmem:s25+$0x90] =	vst v2  }
0xae: {  	v2 =	vld [tilespmem:s29+$0xFFFFFFA0];
	[tilespmem:s25+$0x110] =	vst v3  }
0xaf: {  	[tilespmem:s25+$0xFFFFFEA0] =	vst v4;
	v3 =	vld [tilespmem:s29+$0x20]  }
0xb0: {  	v4 =	vld [tilespmem:s29+$0xA0];
	[tilespmem:s25+$0x1B0] =	vst v0  }
0xb1: {  	[tilespmem:s25+$0xFFFFFF20] =	vst v1;
	v6 =	vld [tilespmem:s29+$0x120]  }
0xb2: {  	[tilespmem:s25+$0xFFFFFE20] =	vst v5;
	v5 =	vld [tilespmem:s29+$0xFFFFFEB0]  }
0xb3: {  	v7 =	vld [tilespmem:s29+$0xFFFFFE30];
	[tilespmem:s25+$0xFFFFFFA0] =	vst v2  }
.Ltmp1:
0xb4: {  	v1 =	vld [tilespmem:s29+$0xFFFFFF30];
	[tilespmem:s25+$0x20] =	vst v3;
	(pc) =	sbr.rel @p1 .LBB2_5-.Ltmp1, $4  }
0xb5: {  	v0 =	vld [tilespmem:s29+$0xFFFFFFB0];
	[tilespmem:s25+$0xA0] =	vst v4  }
0xb6: {  	v2 =	vld [tilespmem:s29+$0x30];
	[tilespmem:s25+$0x120] =	vst v6  }
0xb7: {  	[tilespmem:s25+$0xFFFFFEB0] =	vst v5;
	v3 =	vld [tilespmem:s29+$0xB0]  }
0xb8: {  	[tilespmem:s25+$0xFFFFFE30] =	vst v7;
	v4 =	vld [tilespmem:s29+$0x130];
	s29 =	sadd.s32 $0x400, s29  }
0xb9: {  	[tilespmem:s25+$0xFFFFFF30] =	vst v1;
	s26 =	smul.u32 $0x6400, s26  }
0xba: {  	[tilespmem:s25+$0xFFFFFFB0] =	vst v0  }
0xbb: {  	s24 =	sadd.s32 $0x1, s24;
	[tilespmem:s25+$0x30] =	vst v2;
	s26 =	sshrl.u32 s26, $0x3  }
0xbc: {  	p1 =	sne.s32 s24, $0x40;
	[tilespmem:s25+$0xB0] =	vst v3;
	s26 =	sadd.s32 s5, s26  }
.Ltmp2:
0xbd: {  	[tilespmem:s25+$0x130] =	vst v4;
	s31 =	sadd.s32 $0xC80, s26;
	(pc) =	sbr.rel @p1 .LBB2_2-.Ltmp2, $4  }
0xbe: {  	[hbm4b:s31+s3] =	stream.linear.scatter [tilespmem:s22], [sflag:$0x5], $0x6400, $0x38;
	[tilespmem:$0x1D080] =	vst v63  }
0xbf: {  	_ =	swait.ge [sflag:s13], $0x6400  }
0xc0: {  	[sflag:s13] =	ssyncset.done $0x0  }
0xc1: {  	[sflag:s13] =	ssyncadd.s32 $0xFFFF9C00  }
0xc2: {  	s23 =	sadd.s32 $0x1, s23  }
0xc3: {  	p1 =	sne.s32 s23, s11  }
.Ltmp3:
0xc4: {  	_ = 	snop;
	(pc) =	sbr.rel @p1 .LBB2_1-.Ltmp3, $1  }
0xc5: {  	_ =	sdelay $0x3  }
0xc6: {  	_ =	sfence.sel $0x180000  }
0xc7: {  	[bflag:$0x0] =	sbarrier.arrive $0xFFFF  }
0xc8: {  	_ =	strace $0x90000047  }
0xc9: {  	s0 =	sadd.s32 @!p0 $0x100000, s1;
	[bflag:$0x2] =	sbarrier.arrive $0xFFFF  }
0xca: {  	[sflag:s0] =	ssyncadd.tile.s32 @!p0 $0x1;
	_ =	shalt  }
.Lfunc_end2:
_tile_overlayer_lowered:
.L_overlay_start_2:
0xcb: {  	(tag) =	ssettag $0x2  }
0xcc: {  	s0 =	rddreg [dreg:$0x0];
	s2 =	stileid.u32  }
0xcd: {  	s1 =	rddreg [dreg:$0x1];
	p0 =	sne.s32 s2, $0x0  }
0xce: {  	s3 =	rddreg [dreg:$0x2];
	[bflag:$0x3] =	sbarrier.arrive $0xFFFF;
	s2 =	simm.s32 @!p0 $0x1C05  }
0xcf: {  	[timem:s3], [sflag:s2] =	dma.local @!p0 [hbm:s0], s1  }
0xd0: {  	s0 =	simm.s32 @!p0 $0x5  }
0xd1: {  	_ =	swait.ge @!p0 [sflag:s0], s1  }
0xd2: {  	s1 =	ssub.s32 @!p0 $0x0, s1;
	[sflag:s0] =	ssyncset.done @!p0 $0x0  }
0xd3: {  	[sflag:s0] =	ssyncadd.s32 @!p0 s1  }
0xd4: {  	[bflag:$0x3] =	sbarrier.arrive $0xFFFF  }
0xd5: {  	_ =	shalt  }

</sc_bundles>
